<compile_context>
chip_gen: v7x
topology: tpu7x:2x2x1
jax: 0.10.2.dev20260603
libtpu: 0.0.44.dev20260713+nightly
codegen_flags: <defaults>
</compile_context>

<pallas_src>
import functools

import jax
import jax.numpy as jnp
from jax import lax
from jax.experimental import pallas as pl
from jax.experimental.pallas import tpu as pltpu
from jax.experimental.pallas import tpu_sc as plsc



def _argmin_body(z_ref, cb_ref, b2_ref, idx_ref):
    z = z_ref[...]
    cb = cb_ref[...]
    a2 = jnp.sum(z * z, axis=1, keepdims=True)
    dots = lax.dot_general(z, cb, (((1,), (1,)), ((), ())),
                           preferred_element_type=jnp.float32)
    d2 = a2 + b2_ref[...] - 2.0 * dots
    d2 = jnp.maximum(d2, 0.0)
    idx = jnp.argmin(d2, axis=1).astype(jnp.int32)
    idx_ref[...] = idx.reshape(idx_ref.shape)


def _tc_argmin(z_f, codebook, b2, bm=256):
    m, d = z_f.shape
    k = codebook.shape[0]
    grid = m // bm
    out = pl.pallas_call(
        _argmin_body,
        grid=(grid,),
        in_specs=[
            pl.BlockSpec((bm, d), lambda i: (i, 0)),
            pl.BlockSpec((k, d), lambda i: (0, 0)),
            pl.BlockSpec((1, k), lambda i: (0, 0)),
        ],
        out_specs=pl.BlockSpec((bm, 1), lambda i: (i, 0)),
        out_shape=jax.ShapeDtypeStruct((m, 1), jnp.int32),
    )(z_f, codebook, b2)
    return out[:, 0]


def _vq_body(z_ref, cb_ref, b2_ref, a2_ref, idx_ref, zq_ref):
    z = z_ref[...]
    cb = cb_ref[...]
    bm = z.shape[0]
    kk = cb.shape[0]
    a2 = a2_ref[...]
    dots = lax.dot_general(z, cb, (((1,), (1,)), ((), ())),
                           preferred_element_type=jnp.float32)
    d2 = a2 + b2_ref[...] - 2.0 * dots
    d2 = jnp.sqrt(jnp.maximum(d2, 0.0))
    iota_k = lax.broadcasted_iota(jnp.int32, (bm, kk), 1)
    minv = jnp.min(d2, axis=1, keepdims=True)
    idx = jnp.min(jnp.where(d2 == minv, iota_k, kk), axis=1).astype(jnp.int32)
    idx_ref[...] = idx.reshape(idx_ref.shape)
    onehot = (lax.broadcasted_iota(jnp.int32, (bm, kk), 1) ==
              idx.reshape(bm, 1)).astype(jnp.float32)
    zq_ref[...] = lax.dot_general(onehot, cb, (((1,), (0,)), ((), ())),
                                  preferred_element_type=jnp.float32)


def _tc_vq(z_f, codebook, b2, a2, bm=512):
    m, d = z_f.shape
    k = codebook.shape[0]
    grid = m // bm
    idx, zq = pl.pallas_call(
        _vq_body,
        grid=(grid,),
        in_specs=[
            pl.BlockSpec((bm, d), lambda i: (i, 0)),
            pl.BlockSpec((k, d), lambda i: (0, 0)),
            pl.BlockSpec((1, k), lambda i: (0, 0)),
            pl.BlockSpec((bm, 1), lambda i: (i, 0)),
        ],
        out_specs=[
            pl.BlockSpec((bm, 1), lambda i: (i, 0)),
            pl.BlockSpec((bm, d), lambda i: (i, 0)),
        ],
        out_shape=[
            jax.ShapeDtypeStruct((m, 1), jnp.int32),
            jax.ShapeDtypeStruct((m, d), jnp.float32),
        ],
    )(z_f, codebook, b2, a2)
    return idx[:, 0], zq



def _make_sc_gather(v, d, b):
    info = plsc.get_sparse_core_info()
    nw = info.num_cores * info.num_subcores
    nc = info.num_cores
    b_per_w = b // nw
    mesh = plsc.VectorSubcoreMesh(core_axis_name="c", subcore_axis_name="s")

    @functools.partial(
        pl.kernel, mesh=mesh,
        out_type=jax.ShapeDtypeStruct((b, d), jnp.float32),
        scratch_types=[
            pltpu.VMEM((b_per_w,), jnp.int32),
            pltpu.VMEM((b_per_w, d), jnp.float32),
            pltpu.SemaphoreType.DMA,
        ],
    )
    def k(table_hbm, idx_hbm, out_hbm, idx_v, rows_v, sem):
        wid = lax.axis_index("s") * nc + lax.axis_index("c")
        base = wid * b_per_w
        pltpu.sync_copy(idx_hbm.at[pl.ds(base, b_per_w)], idx_v)
        pltpu.async_copy(table_hbm.at[idx_v], rows_v, sem).wait()
        pltpu.sync_copy(rows_v, out_hbm.at[pl.ds(base, b_per_w)])

    return k



_TH = 28
_NT = 224 // _TH


_TM = _TH * 228
_HB = 912


def _conv3_body(g1_ref, g2_ref, w_ref, b_ref, out_ref):
    slab = jnp.concatenate([g1_ref[0], g2_ref[0]], axis=0)
    acc = jnp.zeros((_TM, 4), jnp.float32) + b_ref[...]
    for ky in range(3):
        base = ky * 228
        lhs = jnp.concatenate(
            [slab[base + kx: base + kx + _TM, :] for kx in range(3)],
            axis=1)
        wk = w_ref[ky * 96: (ky + 1) * 96, :]
        acc = acc + lax.dot_general(lhs, wk, (((1,), (0,)), ((), ())),
                                    preferred_element_type=jnp.float32)
    out_ref[0] = jax.nn.sigmoid(acc)


def _tc_final_conv(g, w3, b3):
    bsz = g.shape[0]
    gt = jnp.pad(g, ((0, 0), (1, 1), (1, 3), (0, 0)))
    flat = gt.reshape(bsz, 226 * 228, 32)
    flat = jnp.pad(flat, ((0, 0), (0, _NT * _TM + _HB - 226 * 228), (0, 0)))
    wmat = jnp.pad(w3.transpose(2, 3, 1, 0).reshape(9 * 32, 3),
                   ((0, 0), (0, 1)))
    bmat = jnp.pad(b3.reshape(1, 3), ((0, 0), (0, 1)))
    out = pl.pallas_call(
        _conv3_body,
        grid=(bsz, _NT),
        in_specs=[
            pl.BlockSpec((1, _TM, 32), lambda b, t: (b, t, 0)),
            pl.BlockSpec((1, _HB, 32), lambda b, t: (b, (t + 1) * 7, 0)),
            pl.BlockSpec((288, 4), lambda b, t: (0, 0)),
            pl.BlockSpec((1, 4), lambda b, t: (0, 0)),
        ],
        out_specs=pl.BlockSpec((1, _TM, 4), lambda b, t: (b, t, 0)),
        out_shape=jax.ShapeDtypeStruct((bsz, _NT * _TM, 4), jnp.float32),
    )(flat, flat, wmat, bmat)
    out = out.reshape(bsz, 224, 228, 4)[:, :, :224, :3]
    return out.transpose(0, 3, 1, 2)



def _conv2(x, w, b, stride, pad):
    y = lax.conv_general_dilated(x, w, (stride, stride), ((pad, pad), (pad, pad)),
                                 dimension_numbers=('NCHW', 'OIHW', 'NCHW'))
    return y + b[None, :, None, None]


def _conv2_t(x, w, b, stride, k, pad):
    q = k - 1 - pad
    y = lax.conv_general_dilated(x, w, (1, 1), ((q, q), (q, q)),
                                 lhs_dilation=(stride, stride),
                                 dimension_numbers=('NCHW', 'OIHW', 'NCHW'))
    return y + b[None, :, None, None]


def _conv2_t_nhwc(x, w, b, stride, k, pad):
    q = k - 1 - pad
    y = lax.conv_general_dilated(x, w.transpose(2, 3, 1, 0), (1, 1),
                                 ((q, q), (q, q)),
                                 lhs_dilation=(stride, stride),
                                 dimension_numbers=('NHWC', 'HWIO', 'NHWC'))
    return y + b[None, None, None, :]


def kernel(x, enc_w1, enc_b1, enc_w2, enc_b2, enc_w3, enc_b3, codebook,
           dec_w1, dec_b1, dec_w2, dec_b2, dec_w3, dec_b3):
    h = jax.nn.relu(_conv2(x, enc_w1, enc_b1, 2, 1))
    h = jax.nn.relu(_conv2(h, enc_w2, enc_b2, 2, 1))
    z_e = _conv2(h, enc_w3, enc_b3, 1, 0)
    bsz = z_e.shape[0]
    d = z_e.shape[1]
    z_f = z_e.reshape(-1, d)
    m = z_f.shape[0]
    k = codebook.shape[0]

    b2 = jnp.sum(codebook * codebook, axis=1)[None, :]
    z_f3 = z_e.reshape(bsz, -1, d)
    a2 = jnp.sum(z_f3 * z_f3, axis=-1, keepdims=True).reshape(-1, 1)
    idx_flat, z_q_flat = _tc_vq(z_f, codebook, b2, a2)
    z_q = z_q_flat.reshape(z_e.shape)
    indices = idx_flat.reshape(bsz, -1)

    zq_nhwc = z_q.transpose(0, 2, 3, 1)
    g = jax.nn.relu(_conv2_t_nhwc(zq_nhwc, dec_w1, dec_b1, 2, 4, 1))
    g = jax.nn.relu(_conv2_t_nhwc(g, dec_w2, dec_b2, 2, 4, 1))
    x_rec = _tc_final_conv(g, dec_w3, dec_b3)
    return x_rec, indices

# --- scband reference (transcript-rebuilt; emitter-appended) ---
"""Pipeline reference for scband-vqvae-68195490726490 (READ-ONLY COPY).

The authoritative reference and input builder live on the scoring server;
editing this copy changes nothing except your own understanding.
"""

import jax, jax.numpy as jnp
import numpy as np
from jax import lax


def _conv(x, w, b, stride, pad):
    y = lax.conv_general_dilated(x, w, (stride, stride), ((pad, pad), (pad, pad)),
                                 dimension_numbers=('NCHW', 'OIHW', 'NCHW'))
    return y + b[None, :, None, None]


def _conv_t(x, w, b, stride, k, pad):
    q = k - 1 - pad
    y = lax.conv_general_dilated(x, w, (1, 1), ((q, q), (q, q)),
                                 lhs_dilation=(stride, stride),
                                 dimension_numbers=('NCHW', 'OIHW', 'NCHW'))
    return y + b[None, :, None, None]


def setup_inputs(seed: int = 0):
    key = jax.random.key(seed)
    ks = jax.random.split(key, 16)
    B, Cin, H, W = 8, 3, 224, 224
    D, K = 64, 512
    s = 0.05
    inp = {}
    inp['x'] = jax.random.uniform(ks[0], (B, Cin, H, W), dtype=jnp.float32)
    # Encoder params
    inp['enc_w1'] = jax.random.normal(ks[1], (32, 3, 4, 4), dtype=jnp.float32) * s
    inp['enc_b1'] = jnp.zeros((32,), dtype=jnp.float32)
    inp['enc_w2'] = jax.random.normal(ks[2], (64, 32, 4, 4), dtype=jnp.float32) * s
    inp['enc_b2'] = jnp.zeros((64,), dtype=jnp.float32)
    inp['enc_w3'] = jax.random.normal(ks[3], (D, 64, 1, 1), dtype=jnp.float32) * s
    inp['enc_b3'] = jnp.zeros((D,), dtype=jnp.float32)
    # Codebook: uniform(-1/K, 1/K) as in torch init
    inp['codebook'] = jax.random.uniform(ks[4], (K, D), dtype=jnp.float32,
                                         minval=-1.0 / K, maxval=1.0 / K)
    # Decoder params
    inp['dec_w1'] = jax.random.normal(ks[5], (64, D, 4, 4), dtype=jnp.float32) * s
    inp['dec_b1'] = jnp.zeros((64,), dtype=jnp.float32)
    inp['dec_w2'] = jax.random.normal(ks[6], (32, 64, 4, 4), dtype=jnp.float32) * s
    inp['dec_b2'] = jnp.zeros((32,), dtype=jnp.float32)
    inp['dec_w3'] = jax.random.normal(ks[7], (3, 32, 3, 3), dtype=jnp.float32) * s
    inp['dec_b3'] = jnp.zeros((3,), dtype=jnp.float32)
    return inp


def reference(x, enc_w1, enc_b1, enc_w2, enc_b2, enc_w3, enc_b3, codebook,
              dec_w1, dec_b1, dec_w2, dec_b2, dec_w3, dec_b3):
    # Encoder
    h = jax.nn.relu(_conv(x, enc_w1, enc_b1, 2, 1))
    h = jax.nn.relu(_conv(h, enc_w2, enc_b2, 2, 1))
    z_e = _conv(h, enc_w3, enc_b3, 1, 0)  # [B, D, H/4, W/4]
    B, C = z_e.shape[0], z_e.shape[1]
    # Faithful to torch: z_e.view(B, -1, C) is a raw contiguous reshape (not a permute)
    z_f = z_e.reshape(B, -1, C)  # [B, H*W, C]
    # cdist(p=2) via the expansion, then sqrt (monotone for argmin)
    a2 = jnp.sum(z_f * z_f, axis=-1, keepdims=True)          # [B, N, 1]
    b2 = jnp.sum(codebook * codebook, axis=-1)               # [K]
    d2 = a2 + b2[None, None, :] - 2.0 * jnp.einsum('bnd,kd->bnk', z_f, codebook)
    distances = jnp.sqrt(jnp.maximum(d2, 0.0))               # [B, N, K]
    indices = jnp.argmin(distances, axis=-1)                 # [B, N]
    z_q = jnp.take(codebook, indices, axis=0).reshape(z_e.shape)
    # Decoder
    g = jax.nn.relu(_conv_t(z_q, dec_w1, dec_b1, 2, 4, 1))
    g = jax.nn.relu(_conv_t(g, dec_w2, dec_b2, 2, 4, 1))
    x_rec = jax.nn.sigmoid(_conv(g, dec_w3, dec_b3, 1, 1))
    return x_rec, indices

if __name__ == "__main__":
    import jax
    _d = setup_inputs()
    print(jax.jit(kernel)(*tuple(_d.values())))

</pallas_src>

<mosaic_0001>
module attributes {stable_mosaic.version = 14 : i64} {
  func.func @_vq_body(%arg0: i32, %arg1: memref<512x64xf32, #tpu.memory_space<vmem>>, %arg2: memref<512x64xf32, #tpu.memory_space<vmem>>, %arg3: memref<1x512xf32, #tpu.memory_space<vmem>>, %arg4: memref<512x1xf32, #tpu.memory_space<vmem>>, %arg5: memref<512x1xi32, #tpu.memory_space<vmem>>, %arg6: memref<512x64xf32, #tpu.memory_space<vmem>>) attributes {dimension_semantics = [#tpu.dimension_semantics<arbitrary>], iteration_bounds = array<i64: 49>, scalar_prefetch = 0 : i64, scratch_operands = 0 : i64, tpu.core_type = #tpu.core_type<tc>, window_params = [{transform_indices = @transform_0, window_bounds = array<i64: 512, 64>}, {pipeline_mode = #tpu.pipeline_mode<synchronous>, transform_indices = @transform_1, window_bounds = array<i64: 512, 64>}, {pipeline_mode = #tpu.pipeline_mode<synchronous>, transform_indices = @transform_2, window_bounds = array<i64: 1, 512>}, {transform_indices = @transform_3, window_bounds = array<i64: 512, 1>}, {transform_indices = @transform_4, window_bounds = array<i64: 512, 1>}, {transform_indices = @transform_5, window_bounds = array<i64: 512, 64>}]} {
    %get3A = arith.constant 0 : index
    %get3A_0 = arith.constant 0 : index
    %get3A_1 = vector.load %arg1[%get3A, %get3A_0] : memref<512x64xf32, #tpu.memory_space<vmem>>, vector<512x64xf32>
    %get3A_2 = arith.constant 0 : index
    %get3A_3 = arith.constant 0 : index
    %get3A_4 = vector.load %arg2[%get3A_2, %get3A_3] : memref<512x64xf32, #tpu.memory_space<vmem>>, vector<512x64xf32>
    %get3A_5 = arith.constant 0 : index
    %get3A_6 = arith.constant 0 : index
    %get3A_7 = vector.load %arg4[%get3A_5, %get3A_6] : memref<512x1xf32, #tpu.memory_space<vmem>>, vector<512x1xf32>
    %dot_general3A = arith.constant dense<0.000000e+00> : vector<512x512xf32>
    %dot_general3A_8 = tpu.matmul %get3A_1, %get3A_4, %dot_general3A {dimension_numbers = #tpu.dot_dimension_numbers<[1], [1], [0], [0], [0, 0, 1, 0], [], []>, transpose_lhs_hint = false} : vector<512x64xf32>, vector<512x64xf32>, vector<512x512xf32> -> vector<512x512xf32>
    %get3A_9 = arith.constant 0 : index
    %get3A_10 = arith.constant 0 : index
    %get3A_11 = vector.load %arg3[%get3A_9, %get3A_10] : memref<1x512xf32, #tpu.memory_space<vmem>>, vector<1x512xf32>
    %add3A = vector.broadcast %get3A_7 : vector<512x1xf32> to vector<512x512xf32>
    %add3A_12 = vector.broadcast %get3A_11 : vector<1x512xf32> to vector<512x512xf32>
    %add3A_13 = arith.addf %add3A, %add3A_12 : vector<512x512xf32>
    %mul3A = arith.constant 2.000000e+00 : f32
    %mul3A_14 = vector.broadcast %mul3A : f32 to vector<512x512xf32>
    %mul3A_15 = arith.mulf %mul3A_14, %dot_general3A_8 : vector<512x512xf32>
    %sub3A = arith.subf %add3A_13, %mul3A_15 : vector<512x512xf32>
    %max3A = arith.constant 0.000000e+00 : f32
    %max3A_16 = vector.broadcast %max3A : f32 to vector<512x512xf32>
    %max3A_17 = arith.maximumf %sub3A, %max3A_16 : vector<512x512xf32>
    %sqrt3A = math.sqrt %max3A_17 : vector<512x512xf32>
    %iota3A = tpu.iota {dimensions = array<i32: 1>} : vector<512x512xi32>
    %reduce_min3A = arith.constant dense<0x7F800000> : vector<512xf32>
    %reduce_min3A_18 = vector.multi_reduction <minimumf>, %sqrt3A, %reduce_min3A [1] : vector<512x512xf32> to vector<512xf32>
    %broadcast_in_dim3A = vector.shape_cast %reduce_min3A_18 : vector<512xf32> to vector<512x1xf32>
    %eq3A = vector.broadcast %broadcast_in_dim3A : vector<512x1xf32> to vector<512x512xf32>
    %eq3A_19 = arith.cmpf oeq, %sqrt3A, %eq3A : vector<512x512xf32>
    %jit3A = arith.constant 512 : i32
    %broadcast_in_dim3A_20 = vector.broadcast %jit3A : i32 to vector<512x512xi32>
    %select_n3A = arith.select %eq3A_19, %iota3A, %broadcast_in_dim3A_20 : vector<512x512xi1>, vector<512x512xi32>
    %reduce_min3A_21 = arith.constant dense<2147483647> : vector<512xi32>
    %reduce_min3A_22 = vector.multi_reduction <minsi>, %select_n3A, %reduce_min3A_21 [1] : vector<512x512xi32> to vector<512xi32>
    %reshape3A = vector.shape_cast %reduce_min3A_22 : vector<512xi32> to vector<512x1xi32>
    %swap3A = arith.constant 0 : index
    %swap3A_23 = arith.constant 0 : index
    %swap3A_24 = vector.load %arg5[%swap3A, %swap3A_23] : memref<512x1xi32, #tpu.memory_space<vmem>>, vector<512x1xi32>
    tpu.vector_store %arg5[%swap3A, %swap3A_23], %reshape3A {strides = array<i32>} : memref<512x1xi32, #tpu.memory_space<vmem>>, vector<512x1xi32>,
    %iota3A_25 = tpu.iota {dimensions = array<i32: 1>} : vector<512x512xi32>
    %reshape3A_26 = vector.shape_cast %reduce_min3A_22 : vector<512xi32> to vector<512x1xi32>
    %eq3A_27 = vector.broadcast %reshape3A_26 : vector<512x1xi32> to vector<512x512xi32>
    %eq3A_28 = arith.cmpi eq, %iota3A_25, %eq3A_27 : vector<512x512xi32>
    %convert_element_type3A = arith.extui %eq3A_28 : vector<512x512xi1> to vector<512x512xi32>
    %convert_element_type3A_29 = arith.sitofp %convert_element_type3A : vector<512x512xi32> to vector<512x512xf32>
    %dot_general3A_30 = arith.constant dense<0.000000e+00> : vector<512x64xf32>
    %dot_general3A_31 = tpu.matmul %convert_element_type3A_29, %get3A_4, %dot_general3A_30 {dimension_numbers = #tpu.dot_dimension_numbers<[1], [0], [0], [1], [0, 0, 1, 1], [], []>, transpose_lhs_hint = false} : vector<512x512xf32>, vector<512x64xf32>, vector<512x64xf32> -> vector<512x64xf32>
    %swap3A_32 = arith.constant 0 : index
    %swap3A_33 = arith.constant 0 : index
    %swap3A_34 = vector.load %arg6[%swap3A_32, %swap3A_33] : memref<512x64xf32, #tpu.memory_space<vmem>>, vector<512x64xf32>
    tpu.vector_store %arg6[%swap3A_32, %swap3A_33], %dot_general3A_31 {strides = array<i32>} : memref<512x64xf32, #tpu.memory_space<vmem>>, vector<512x64xf32>,
    return
  }
  func.func @transform_0(%arg0: i32) -> (i32, i32) {
    %c0_i32 = arith.constant 0 : i32
    %c0_i32_0 = arith.constant 0 : i32
    return %arg0, %c0_i32 : i32, i32
  }
  func.func @transform_1(%arg0: i32) -> (i32, i32) {
    %c0_i32 = arith.constant 0 : i32
    %c0_i32_0 = arith.constant 0 : i32
    %c0_i32_1 = arith.constant 0 : i32
    return %c0_i32, %c0_i32_0 : i32, i32
  }
  func.func @transform_2(%arg0: i32) -> (i32, i32) {
    %c0_i32 = arith.constant 0 : i32
    %c0_i32_0 = arith.constant 0 : i32
    %c0_i32_1 = arith.constant 0 : i32
    return %c0_i32, %c0_i32_0 : i32, i32
  }
  func.func @transform_3(%arg0: i32) -> (i32, i32) {
    %c0_i32 = arith.constant 0 : i32
    %c0_i32_0 = arith.constant 0 : i32
    return %arg0, %c0_i32 : i32, i32
  }
  func.func @transform_4(%arg0: i32) -> (i32, i32) {
    %c0_i32 = arith.constant 0 : i32
    %c0_i32_0 = arith.constant 0 : i32
    return %arg0, %c0_i32 : i32, i32
  }
  func.func @transform_5(%arg0: i32) -> (i32, i32) {
    %c0_i32 = arith.constant 0 : i32
    %c0_i32_0 = arith.constant 0 : i32
    return %arg0, %c0_i32 : i32, i32
  }
}

module attributes {stable_mosaic.version = 14 : i64} {
  func.func @_conv3_body(%arg0: i32, %arg1: i32, %arg2: memref<1x6384x32xf32, #tpu.memory_space<vmem>>, %arg3: memref<1x912x32xf32, #tpu.memory_space<vmem>>, %arg4: memref<288x4xf32, #tpu.memory_space<vmem>>, %arg5: memref<1x4xf32, #tpu.memory_space<vmem>>, %arg6: memref<1x6384x4xf32, #tpu.memory_space<vmem>>) attributes {dimension_semantics = [#tpu.dimension_semantics<arbitrary>, #tpu.dimension_semantics<arbitrary>], iteration_bounds = array<i64: 8, 8>, scalar_prefetch = 0 : i64, scratch_operands = 0 : i64, tpu.core_type = #tpu.core_type<tc>, window_params = [{transform_indices = @transform_0, window_bounds = array<i64: 1, 6384, 32>}, {transform_indices = @transform_1, window_bounds = array<i64: 1, 912, 32>}, {pipeline_mode = #tpu.pipeline_mode<synchronous>, transform_indices = @transform_2, window_bounds = array<i64: 288, 4>}, {pipeline_mode = #tpu.pipeline_mode<synchronous>, transform_indices = @transform_3, window_bounds = array<i64: 1, 4>}, {transform_indices = @transform_4, window_bounds = array<i64: 1, 6384, 4>}]} {
    %get3A = arith.constant 0 : index
    %get3A_0 = arith.constant 0 : index
    %get3A_1 = arith.constant 0 : index
    %get3A_2 = vector.load %arg2[%get3A, %get3A_0, %get3A_1] : memref<1x6384x32xf32, #tpu.memory_space<vmem>>, vector<1x6384x32xf32>
    %get3A_3 = vector.shape_cast %get3A_2 : vector<1x6384x32xf32> to vector<6384x32xf32>
    %get3A_4 = arith.constant 0 : index
    %get3A_5 = arith.constant 0 : index
    %get3A_6 = arith.constant 0 : index
    %get3A_7 = vector.load %arg3[%get3A_4, %get3A_5, %get3A_6] : memref<1x912x32xf32, #tpu.memory_space<vmem>>, vector<1x912x32xf32>
    %get3A_8 = vector.shape_cast %get3A_7 : vector<1x912x32xf32> to vector<912x32xf32>
    %concatenate3A = tpu.concatenate %get3A_3, %get3A_8 in 0 : vector<6384x32xf32>, vector<912x32xf32> -> vector<7296x32xf32>
    %broadcast_in_dim3A = arith.constant 0.000000e+00 : f32
    %broadcast_in_dim3A_9 = vector.broadcast %broadcast_in_dim3A : f32 to vector<6384x4xf32>
    %get3A_10 = arith.constant 0 : index
    %get3A_11 = arith.constant 0 : index
    %get3A_12 = vector.load %arg5[%get3A_10, %get3A_11] : memref<1x4xf32, #tpu.memory_space<vmem>>, vector<1x4xf32>
    %add3A = vector.broadcast %get3A_12 : vector<1x4xf32> to vector<6384x4xf32>
    %add3A_13 = arith.addf %broadcast_in_dim3A_9, %add3A : vector<6384x4xf32>
    %slice3A = vector.extract_strided_slice %concatenate3A {offsets = [0, 0], sizes = [6384, 32], strides = [1, 1]} : vector<7296x32xf32> to vector<6384x32xf32>
    %slice3A_14 = vector.extract_strided_slice %concatenate3A {offsets = [1, 0], sizes = [6384, 32], strides = [1, 1]} : vector<7296x32xf32> to vector<6384x32xf32>
    %slice3A_15 = vector.extract_strided_slice %concatenate3A {offsets = [2, 0], sizes = [6384, 32], strides = [1, 1]} : vector<7296x32xf32> to vector<6384x32xf32>
    %concatenate3A_16 = tpu.concatenate %slice3A, %slice3A_14, %slice3A_15 in 1 : vector<6384x32xf32>, vector<6384x32xf32>, vector<6384x32xf32> -> vector<6384x96xf32>
    %get3A_17 = arith.constant 0 : index
    %get3A_18 = arith.constant 0 : index
    %get3A_19 = vector.load %arg4[%get3A_17, %get3A_18] : memref<288x4xf32, #tpu.memory_space<vmem>>, vector<96x4xf32>
    %dot_general3A = arith.constant dense<0.000000e+00> : vector<6384x4xf32>
    %dot_general3A_20 = tpu.matmul %concatenate3A_16, %get3A_19, %dot_general3A {dimension_numbers = #tpu.dot_dimension_numbers<[1], [0], [0], [1], [0, 0, 1, 1], [], []>, transpose_lhs_hint = false} : vector<6384x96xf32>, vector<96x4xf32>, vector<6384x4xf32> -> vector<6384x4xf32>
    %add3A_21 = arith.addf %add3A_13, %dot_general3A_20 : vector<6384x4xf32>
    %slice3A_22 = vector.extract_strided_slice %concatenate3A {offsets = [228, 0], sizes = [6384, 32], strides = [1, 1]} : vector<7296x32xf32> to vector<6384x32xf32>
    %slice3A_23 = vector.extract_strided_slice %concatenate3A {offsets = [229, 0], sizes = [6384, 32], strides = [1, 1]} : vector<7296x32xf32> to vector<6384x32xf32>
    %slice3A_24 = vector.extract_strided_slice %concatenate3A {offsets = [230, 0], sizes = [6384, 32], strides = [1, 1]} : vector<7296x32xf32> to vector<6384x32xf32>
    %concatenate3A_25 = tpu.concatenate %slice3A_22, %slice3A_23, %slice3A_24 in 1 : vector<6384x32xf32>, vector<6384x32xf32>, vector<6384x32xf32> -> vector<6384x96xf32>
    %get3A_26 = arith.constant 96 : index
    %get3A_27 = arith.constant 0 : index
    %get3A_28 = vector.load %arg4[%get3A_26, %get3A_27] : memref<288x4xf32, #tpu.memory_space<vmem>>, vector<96x4xf32>
    %dot_general3A_29 = arith.constant dense<0.000000e+00> : vector<6384x4xf32>
    %dot_general3A_30 = tpu.matmul %concatenate3A_25, %get3A_28, %dot_general3A_29 {dimension_numbers = #tpu.dot_dimension_numbers<[1], [0], [0], [1], [0, 0, 1, 1], [], []>, transpose_lhs_hint = false} : vector<6384x96xf32>, vector<96x4xf32>, vector<6384x4xf32> -> vector<6384x4xf32>
    %add3A_31 = arith.addf %add3A_21, %dot_general3A_30 : vector<6384x4xf32>
    %slice3A_32 = vector.extract_strided_slice %concatenate3A {offsets = [456, 0], sizes = [6384, 32], strides = [1, 1]} : vector<7296x32xf32> to vector<6384x32xf32>
    %slice3A_33 = vector.extract_strided_slice %concatenate3A {offsets = [457, 0], sizes = [6384, 32], strides = [1, 1]} : vector<7296x32xf32> to vector<6384x32xf32>
    %slice3A_34 = vector.extract_strided_slice %concatenate3A {offsets = [458, 0], sizes = [6384, 32], strides = [1, 1]} : vector<7296x32xf32> to vector<6384x32xf32>
    %concatenate3A_35 = tpu.concatenate %slice3A_32, %slice3A_33, %slice3A_34 in 1 : vector<6384x32xf32>, vector<6384x32xf32>, vector<6384x32xf32> -> vector<6384x96xf32>
    %get3A_36 = arith.constant 192 : index
    %get3A_37 = arith.constant 0 : index
    %get3A_38 = vector.load %arg4[%get3A_36, %get3A_37] : memref<288x4xf32, #tpu.memory_space<vmem>>, vector<96x4xf32>
    %dot_general3A_39 = arith.constant dense<0.000000e+00> : vector<6384x4xf32>
    %dot_general3A_40 = tpu.matmul %concatenate3A_35, %get3A_38, %dot_general3A_39 {dimension_numbers = #tpu.dot_dimension_numbers<[1], [0], [0], [1], [0, 0, 1, 1], [], []>, transpose_lhs_hint = false} : vector<6384x96xf32>, vector<96x4xf32>, vector<6384x4xf32> -> vector<6384x4xf32>
    %add3A_41 = arith.addf %add3A_31, %dot_general3A_40 : vector<6384x4xf32>
    %logistic3A = arith.negf %add3A_41 : vector<6384x4xf32>
    %logistic3A_42 = math.exp %logistic3A : vector<6384x4xf32>
    %logistic3A_43 = arith.constant 1.000000e+00 : f32
    %logistic3A_44 = vector.broadcast %logistic3A_43 : f32 to vector<6384x4xf32>
    %logistic3A_45 = arith.addf %logistic3A_44, %logistic3A_42 : vector<6384x4xf32>
    %logistic3A_46 = arith.divf %logistic3A_44, %logistic3A_45 : vector<6384x4xf32>
    %swap3A = arith.constant 0 : index
    %swap3A_47 = arith.constant 0 : index
    %swap3A_48 = arith.constant 0 : index
    %swap3A_49 = vector.load %arg6[%swap3A, %swap3A_47, %swap3A_48] : memref<1x6384x4xf32, #tpu.memory_space<vmem>>, vector<1x6384x4xf32>
    %swap3A_50 = vector.shape_cast %swap3A_49 : vector<1x6384x4xf32> to vector<6384x4xf32>
    %swap3A_51 = vector.shape_cast %logistic3A_46 : vector<6384x4xf32> to vector<1x6384x4xf32>
    tpu.vector_store %arg6[%swap3A, %swap3A_47, %swap3A_48], %swap3A_51 {strides = array<i32>} : memref<1x6384x4xf32, #tpu.memory_space<vmem>>, vector<1x6384x4xf32>,
    return
  }
  func.func @transform_0(%arg0: i32, %arg1: i32) -> (i32, i32, i32) {
    %c0_i32 = arith.constant 0 : i32
    %c0_i32_0 = arith.constant 0 : i32
    return %arg0, %arg1, %c0_i32 : i32, i32, i32
  }
  func.func @transform_1(%arg0: i32, %arg1: i32) -> (i32, i32, i32) {
    %add3A = arith.constant 1 : i32
    %add3A_0 = arith.addi %arg1, %add3A : i32
    %mul3A = arith.constant 7 : i32
    %mul3A_1 = arith.muli %add3A_0, %mul3A : i32
    %c0_i32 = arith.constant 0 : i32
    %c0_i32_2 = arith.constant 0 : i32
    return %arg0, %mul3A_1, %c0_i32 : i32, i32, i32
  }
  func.func @transform_2(%arg0: i32, %arg1: i32) -> (i32, i32) {
    %c0_i32 = arith.constant 0 : i32
    %c0_i32_0 = arith.constant 0 : i32
    %c0_i32_1 = arith.constant 0 : i32
    return %c0_i32, %c0_i32_0 : i32, i32
  }
  func.func @transform_3(%arg0: i32, %arg1: i32) -> (i32, i32) {
    %c0_i32 = arith.constant 0 : i32
    %c0_i32_0 = arith.constant 0 : i32
    %c0_i32_1 = arith.constant 0 : i32
    return %c0_i32, %c0_i32_0 : i32, i32
  }
  func.func @transform_4(%arg0: i32, %arg1: i32) -> (i32, i32, i32) {
    %c0_i32 = arith.constant 0 : i32
    %c0_i32_0 = arith.constant 0 : i32
    return %arg0, %arg1, %c0_i32 : i32, i32, i32
  }
}

</mosaic_0001>

<sc_bundles>
// kernel: sparse-core-data-format-call.cloned.1.call-start
scs
called_computation_lowered:
.L_overlay_start_0:
0x0: {  	s1 =	sld [smem:$0x3FD9]  }
0x1: {  	s2 =	sld [smem:$0x3FFE];
	_ =	sdelay $0x1  }
0x2: {  	s3 =	srdreg.scid  }
0x3: {  	s0 =	sand.u32 $0x1, s3  }
0x4: {  	s17 =	sshll.u32 s0, $0xA;
	s1 =	sadd.s32 s2, s1  }
0x5: {  	s1 =	sadd.s32 s1, s17  }
0x6: {  	[smem:$0x3FBA] =	sst s1  }
0x7: {  	_ = 	snop  }
0x8: {  	(tm) =	ssettm $0x1  }
0x9: {  	s18 =	sld [smem:$0x3FFB];
	_ =	sdelay $0x3  }
0xa: {  	_ =	strace s18  }
0xb: {  	s1 =	sld [smem:$0x3FFC];
	_ =	sdelay $0x3  }
0xc: {  	_ =	strace s1  }
0xd: {  	s1 =	sld [smem:$0x3FFD];
	_ =	sdelay $0x3  }
0xe: {  	_ =	strace s1  }
0xf: {  	_ =	strace $0x8FFFFFFF  }
0x10: {  	s19 =	sld [smem:$0x3FDB];
	_ =	sdelay $0x1  }
0x11: {  	s20 =	simm.s32 $_scs_section_size  }
0x12: {  	s4 =	simm.s32 $_size__tile_overlayer_lowered;
	s5 =	simm.s32 $_tile_overlayer_lowered  }
0x13: {  	s23 =	simm.s32 $0x1BFF;
	s22 =	sshll.u32 s5, $0x1;
	s1 =	sadd.s32 s20, s19  }
0x14: {  	s6 =	simm.s32 $0x0;
	s21 =	sshll.u32 s4, $0x1;
	s4 =	sadd.s32 s22, s1  }
0x15: {  	[timem:s6], [sflag:s23] =	dma.local [hbm:s4], s21  }
0x16: {  	_ =	swait.ge [sflag:s23], s21  }
0x17: {  	s2 =	ssub.s32 $0x0, s21;
	[sflag:s23] =	ssyncset.done $0x0  }
0x18: {  	[sflag:s23] =	ssyncadd.s32 s2;
	_ =	sdelay $0x1  }
0x19: {  	s24 =	simm.s32 $0x1B8B  }
0x1a: {  	_ =	swait.ge [sflag:s24], $0x1  }
0x1b: {  	[sflag:s24] =	ssyncset.done $0x0  }
0x1c: {  	s26 =	simm.s32 $0x1B8E;
	s25 =	sld [smem:$0x3FFE];
	[sflag:s24] =	ssyncadd.s32 $0xFFFFFFFF  }
0x1d: {  	s27 =	simm.s32 $execute0_lowered;
	[smem:$0x3FD2] =	sst s26  }
0x1e: {  	s4 =	sshll.u32 s27, $0x1;
	_ =	strace $0x80000046;
	[dreg:$0x1] =	wrdreg $0xFFFFFFFF  }
0x1f: {  	s28 =	simm.s32 $_size_execute0_lowered;
	s1 =	sadd.s32 s1, s4;
	[dreg:$0x0] =	wrdreg $0x0  }
0x20: {  	s4 =	sshll.u32 s28, $0x1;
	[dreg:$0x2] =	wrdreg s1  }
0x21: {  	[dreg:$0x3] =	wrdreg s4  }
0x22: {  	[dreg:$0x4] =	wrdreg $0xC0  }
0x23: {  	_ =	task [dreg:s6], $0x5FFFF  }
0x24: {  	[dreg:$0x1] =	wrdreg $0xFFFFFFFF  }
0x25: {  	[dreg:$0x0] =	wrdreg $0x60  }
0x26: {  	[dreg:$0x2] =	wrdreg s25  }
0x27: {  	[dreg:$0x3] =	wrdreg $0x9  }
0x28: {  	_ =	task.clear_ibuf [dreg:s6], $0x4FFFF;
	_ =	strace $0x90000046  }
0x29: {  	s29 =	simm.s32 $0x9;
	_ =	strace $0x80000048  }
0x2a: {  	_ =	swait.ge [sflag:s29], $0x1  }
0x2b: {  	[sflag:s29] =	ssyncadd.s32 $0xFFFFFFFF  }
0x2c: {  	_ =	strace $0x90000048  }
0x2d: {  	_ =	sfence  }
0x2e: {  	s30 =	sld [smem:$0x0];
	_ =	sdelay $0x2  }
0x2f: {  	s31 =	sshll.u32 s3, $0xD;
	s3 =	sshrl.u32 s3, $0x2  }
0x30: {  	s2 =	sand.u32 $0x4000, s31;
	s1 =	sadd.s32 s3, s30  }
0x31: {  	s0 =	sor.u32 s2, s0;
	s1 =	sshll.u32 s1, $0x11  }
0x32: {  	s0 =	sor.u32 s1, s0  }
0x33: {  	s0 =	sadd.s32 $0x8F2B, s0  }
0x34: {  	[sflag:s0] =	ssyncadd.remote.s32 $0x1  }
0x35: {  	_ =	sfence.sel $0xFFFF  }
0x36: {  	[dreg:$0x0] =	wrdreg $0xFFFFFFFF;
	(pc) =	sbr.abs _section_cstart, $3  }
0x37: {  	[dreg:$0x1] =	wrdreg $0xFFFFFFFF  }
0x38: {  	_ =	task.clear_ibuf [dreg:s6], $0x2FFFF;
	_ =	strace $0x9FFFFFFF  }
0x39: {  	(tm) =	ssettm $0x7FFFFFFF  }
tec
execute0_lowered:
.L_overlay_start_1:
0x0: {  	(tag) =	ssettag $0x1  }
0x1: {  	s0 =	srdreg.scid  }
0x2: {  	s5 =	rddreg [dreg:$0x0];
	s6 =	simm.s32 $0x2;
	s15 =	simm.s32 $0x0  }
0x3: {  	s9 =	simm.s32 $0x20;
	s10 =	simm.s32 $0x80;
	s1 =	sshll.u32 s0, $0x4  }
0x4: {  	s11 =	simm.s32 $0x0;
	s0 =	stileid.u32;
	s1 =	sand.u32 $0x10, s1  }
0x5: {  	s16 =	simm.s32 $0x0;
	s12 =	simm.s32 $0x0;
	s2 =	sor.u32 s0, s1  }
0x6: {  	s4 =	sshll.u32 s0, $0x9;
	s1 =	rddreg [dreg:$0x1];
	s2 =	sshrl.u32 s2, $0x2  }
.Ltmp0:
0x7: {  	_ =	strace $0x80000047;
	s3 =	sshll.u32 s2, $0x4;
	(pc) =	sbr.rel .LBB1_1-.Ltmp0, $4  }
0x8: {  	s7 =	sadd.s32 s3, s5;
	s3 =	sand.u32 $0x600, s4;
	s4 =	simm.s32 $0x1  }
0x9: {  	s14 =	simm.s32 $0x0;
	[sflag:s4] =	ssyncpa.u1 $0x0;
	s8 =	ssub.s32 $0xC800, s3  }
0xa: {  	s5 =	sadd.s32 $0x63A00, s5;
	[sflag:s6] =	ssyncpa.u1 $0x0;
	s6 =	sshrl.u32 s8, $0xB  }
0xb: {  	s7 =	sadd.s32 $0x80BA00, s7;
	s13 =	smov.u32 s3;
	s8 =	sor.u32 $0x2, s6  }
.LBB1_5:
0xc: {  	_ =	sdelay $0x3  }
0xd: {  	[tilespmem:v0+s22+$0x0 ss:$0x1] =	vst.idx.msk $0xffff, v1  }
.LBB1_6:
0xe: {  	s19 =	sand.u32 $0x1FFFFFF, s12  }
0xf: {  	s20 =	smulhi.u32 $0x28B3037, s19;
	_ =	sdelay $0x1  }
0x10: {  	s20 =	sshrl.u32 s20, $0x9  }
0x11: {  	s20 =	smul.u32 $0xC948, s20  }
0x12: {  	s16 =	smul.u32 $0xC9480, s16  }
0x13: {  	s19 =	ssub.s32 s19, s20  }
0x14: {  	s16 =	sadd.s32 s5, s16;
	s19 =	sshll.u32 s19, $0x4  }
0x15: {  	s16 =	sadd.s32 s19, s16  }
0x16: {  	[hbm4b:s16+s9] =	stream.strided.scatter [tilespmem:s18], [sflag:$0x2], s17, s10, s9, $0x38;
	[tilespmem:$0x10000] =	vst v63  }
.LBB1_7:
0x17: {  	p0 =	slt.u32 s14, $0x2  }
0x18: {  	p1 =	sgt.s32 @!p0 s15, $0xC748  }
0x19: {  	s16 =	smov.u32 s15;
	s17 =	sshra.s32 @!p0 s15, $0x1F;
	p1 =	por !p1, p0  }
0x1a: {  	s15 =	sand.u32 @!p0 s17, s15;
	s16 =	simm.s32 @p1 $0xC748  }
0x1b: {  	s15 =	ssub.s32 @!p0 s16, s15  }
0x1c: {  	s15 =	sadd.s32 @!p0 $0xFFFF38B8, s15  }
0x1d: {  	s16 =	sshll.u32 @!p0 s15, $0x5  }
0x1e: {  	p1 =	sgt.s32 @!p0 s15, $0x1FF;
	s15 =	ssub.s32 @!p0 $0x4000, s16  }
0x1f: {  	s17 =	sadd.s32 $0x800, s13;
	p1 =	por !p1, p0;
	s15 =	sand.u32 @!p0 $0x3FFFFFE0, s15  }
0x20: {  	s15 =	simm.s32 @!p1 $0x0;
	p1 =	sgt.s32 s17, $0xC947  }
0x21: {  	s17 =	smov.u32 @p1 s3;
	p1 =	sne.s32 s14, s8  }
.Ltmp1:
0x22: {  	_ = 	snop;
	(pc) =	sbr.rel @!p1 .LBB1_8-.Ltmp1, $4  }
0x23: {  	s11 =	sadd.s32 $0x4000, s11;
	s16 =	simm.s32 @!p0 $0x2  }
0x24: {  	_ =	swait.ge @!p0 [sflag:s16], s15;
	s18 =	ssub.s32 @!p0 $0x0, s15;
	s15 =	smov.u32 s12  }
0x25: {  	s14 =	sadd.s32 $0x1, s14;
	s12 =	smov.u32 s13;
	[sflag:s16] =	ssyncset.done @!p0 $0x0  }
0x26: {  	s13 =	smov.u32 s17;
	[sflag:s16] =	ssyncadd.s32 @!p0 s18;
	s16 =	smov.u32 s2  }
.LBB1_1:
0x27: {  	p0 =	sgt.u32 s14, s6  }
0x28: {  	p1 =	sgt.s32 @!p0 s13, $0xC748  }
0x29: {  	s17 =	smov.u32 s13;
	s18 =	sshra.s32 @!p0 s13, $0x1F;
	p1 =	por !p1, p0  }
0x2a: {  	s18 =	sand.u32 @!p0 s18, s13;
	s17 =	simm.s32 @p1 $0xC748  }
0x2b: {  	s17 =	ssub.s32 @!p0 s17, s18  }
0x2c: {  	s19 =	sxor.u32 @!p0 $0xFFFFFFFF, s14;
	s17 =	sadd.s32 @!p0 $0xFFFF38B8, s17  }
0x2d: {  	s20 =	simm.s32 @!p0 $0x20;
	s21 =	simm.s32 @!p0 $0x400;
	s18 =	sshll.u32 @!p0 s17, $0x5  }
0x2e: {  	p1 =	sgt.s32 @!p0 s17, $0x1FF;
	s17 =	ssub.s32 @!p0 $0x4000, s18;
	s18 =	sshll.u32 @!p0 s19, $0xE  }
0x2f: {  	p1 =	por !p1, p0;
	s19 =	sshll.u32 @!p0 s13, $0x7;
	s17 =	sand.u32 @!p0 $0x3FFFFFE0, s17  }
0x30: {  	s18 =	sand.u32 @!p0 $0x4000, s18;
	s19 =	sadd.s32 @!p0 s19, s7;
	s17 =	simm.s32 @!p1 $0x0  }
0x31: {  	[tilespmem:s18], [sflag:$0x1] =	stream.strided.gather @!p0 [hbm4b:s19+s20], s17, s21, s20, $0x38;
	[tilespmem:$0x10000] =	vst v63  }
0x32: {  	p0 =	seq.s32 s14, $0x0  }
0x33: {  	p1 =	sge.u32 @!p0 s14, s8  }
0x34: {  	p0 =	por p0, p1  }
.Ltmp2:
0x35: {  	_ = 	snop;
	(pc) =	sbr.rel @p0 .LBB1_7-.Ltmp2, $1  }
0x36: {  	_ =	sdelay $0x3  }
0x37: {  	p0 =	sgt.s32 s12, $0xC748;
	s17 =	smov.u32 s12;
	s18 =	sshra.s32 s12, $0x1F  }
0x38: {  	s17 =	simm.s32 @!p0 $0xC748;
	s18 =	sand.u32 s18, s12  }
0x39: {  	s17 =	ssub.s32 s17, s18  }
0x3a: {  	s17 =	sadd.s32 $0xFFFF38B8, s17  }
0x3b: {  	s30 =	sshll.u32 s17, $0x5  }
0x3c: {  	s18 =	ssub.s32 $0x4000, s30  }
0x3d: {  	p0 =	sgt.s32 s17, $0x1FF;
	s17 =	sand.u32 $0x3FFFFFE0, s18;
	s18 =	sadd.s32 $0x200, s12  }
0x3e: {  	s17 =	simm.s32 @p0 $0x0;
	p0 =	slt.s32 s18, $0xC948  }
0x3f: {  	s18 =	simm.s32 @!p0 $0xC948  }
0x40: {  	s20 =	ssub.s32 s18, s12  }
0x41: {  	p0 =	slt.s32 s20, $0x1  }
.Ltmp3:
0x42: {  	_ = 	snop;
	(pc) =	sbr.rel @p0 .LBB1_6-.Ltmp3, $4  }
0x43: {  	_ = 	snop  }
0x44: {  	s21 =	sshll.u32 s14, $0xE;
	_ =	swait.ge [sflag:s4], s17  }
0x45: {  	s31 =	sand.u32 $0x4000, s21;
	s19 =	ssub.s32 $0x0, s17;
	[sflag:s4] =	ssyncset.done $0x0  }
0x46: {  	s18 =	sor.u32 $0x8000, s31;
	[sflag:s4] =	ssyncadd.s32 s19  }
0x47: {  	s19 =	sand.u32 $0x4000, s11  }
0x48: {  	s21 =	sor.u32 $0x10, s19  }
0x49: {  	v0 =	vmov s18;
	p0 =	sne.s32 s20, $0x1;
	v2 =	vld [tilespmem:s21+$0x0]  }
.Ltmp4:
0x4a: {  	v1 =	vld [tilespmem:s21+$0xFFFFFFF0];
	(pc) =	sbr.rel @!p0 .LBB1_5-.Ltmp4, $4  }
0x4b: {  	_ = 	snop  }
0x4c: {  	s19 =	simm.s32 $0x0  }
0x4d: {  	s22 =	sand.u32 $0x3FE0, s19  }
0x4e: {  	s20 =	sadd.s32 $0xFFFFFFFF, s20;
	s21 =	sadd.s32 $0x20, s21;
	[tilespmem:v0+s22+$0x10 ss:$0x1] =	vst.idx.msk $0xffff, v2  }
.LBB1_4:
0x4f: {  	v2 =	vld [tilespmem:s21+$0x0];
	p0 =	sne.s32 s20, $0x1;
	s20 =	sadd.s32 $0xFFFFFFFF, s20;
	[tilespmem:v0+s22+$0x0 ss:$0x1] =	vst.idx.msk $0xffff, v1  }
.Ltmp5:
0x50: {  	v1 =	vld [tilespmem:s21+$0xFFFFFFF0];
	(pc) =	sbr.rel @p0 .LBB1_4-.Ltmp5, $4  }
0x51: {  	_ = 	snop  }
0x52: {  	s19 =	sadd.s32 $0x20, s19  }
0x53: {  	s22 =	sand.u32 $0x3FE0, s19  }
0x54: {  	s21 =	sadd.s32 $0x20, s21;
	[tilespmem:v0+s22+$0x10 ss:$0x1] =	vst.idx.msk $0xffff, v2  }
.Ltmp6:
0x55: {  	_ = 	snop;
	(pc) =	sbr.rel .LBB1_5-.Ltmp6, $1  }
0x56: {  	_ =	sdelay $0x3  }
.LBB1_8:
0x57: {  	_ =	sfence.sel $0x180000  }
0x58: {  	s2 =	simm.s32 $0x1;
	[bflag:$0x0] =	sbarrier.arrive $0xFFFF  }
0x59: {  	s31 =	simm.s32 $0x2;
	[sflag:s2] =	ssyncpa.u1 $0x1  }
0x5a: {  	[sflag:s31] =	ssyncpa.u1 $0x1  }
0x5b: {  	p0 =	sne.s32 s0, $0x0;
	_ =	strace $0x90000047  }
0x5c: {  	s0 =	sadd.s32 @!p0 $0x100000, s1;
	[bflag:$0x2] =	sbarrier.arrive $0xFFFF  }
0x5d: {  	[sflag:s0] =	ssyncadd.tile.s32 @!p0 $0x1;
	_ =	shalt  }
.Lfunc_end1:
_tile_overlayer_lowered:
.L_overlay_start_2:
0x5e: {  	(tag) =	ssettag $0x2  }
0x5f: {  	s0 =	rddreg [dreg:$0x0];
	s2 =	stileid.u32  }
0x60: {  	s1 =	rddreg [dreg:$0x1];
	p0 =	sne.s32 s2, $0x0  }
0x61: {  	s3 =	rddreg [dreg:$0x2];
	[bflag:$0x3] =	sbarrier.arrive $0xFFFF;
	s2 =	simm.s32 @!p0 $0x1C01  }
0x62: {  	[timem:s3], [sflag:s2] =	dma.local @!p0 [hbm:s0], s1  }
0x63: {  	s0 =	simm.s32 @!p0 $0x1  }
0x64: {  	_ =	swait.ge @!p0 [sflag:s0], s1  }
0x65: {  	s1 =	ssub.s32 @!p0 $0x0, s1;
	[sflag:s0] =	ssyncset.done @!p0 $0x0  }
0x66: {  	[sflag:s0] =	ssyncadd.s32 @!p0 s1  }
0x67: {  	[bflag:$0x3] =	sbarrier.arrive $0xFFFF  }
0x68: {  	_ =	shalt  }

</sc_bundles>
